<compile_context>
chip_gen: v7x
topology: tpu7x:2x2x1
jax: 0.10.2.dev20260603
libtpu: 0.0.44.dev20260713+nightly
codegen_flags: <defaults>
</compile_context>

<pallas_src>
import functools

import jax
import jax.numpy as jnp
from jax import lax
from jax.experimental import pallas as pl
from jax.experimental.pallas import tpu as pltpu
from jax.experimental.pallas import tpu_sc as plsc

NUM_CLASS = 1000000
BATCH = 16384
EMBD = 64
ZD = 128
OUT_D = EMBD + ZD
SPLIT = 512000
TR_BLK = 20480
IDX_CHUNK = 128


def _tr_body(a_ref, b_ref, o_ref):
    o_ref[...] = jnp.concatenate([a_ref[...], b_ref[...]], axis=0).T


@functools.cache
def _transpose_pack_tc():
    grid = SPLIT // TR_BLK
    return pl.pallas_call(
        _tr_body,
        grid=(grid,),
        in_specs=[
            pl.BlockSpec((EMBD, TR_BLK), lambda i: (0, i)),
            pl.BlockSpec((EMBD, TR_BLK),
                         lambda i: (0, jnp.minimum(
                             SPLIT // TR_BLK + i,
                             (NUM_CLASS - 1) // TR_BLK))),
        ],
        out_specs=pl.BlockSpec((TR_BLK, 2 * EMBD), lambda i: (i, 0)),
        out_shape=jax.ShapeDtypeStruct((SPLIT, 2 * EMBD), jnp.float32),
        compiler_params=pltpu.CompilerParams(
            vmem_limit_bytes=48 * 1024 * 1024),
    )


@functools.cache
def _sc_gather_concat():
    mesh = plsc.VectorSubcoreMesh(core_axis_name="c", subcore_axis_name="s")
    nw = mesh.num_cores * mesh.num_subcores
    b_per_w = BATCH // nw
    n_chunks = b_per_w // IDX_CHUNK

    @functools.partial(
        pl.kernel,
        out_type=jax.ShapeDtypeStruct((BATCH, OUT_D), jnp.float32),
        mesh=mesh,
        scratch_types=[
            pltpu.VMEM((n_chunks, IDX_CHUNK), jnp.int32),
            pltpu.VMEM((b_per_w, EMBD), jnp.float32),
            pltpu.VMEM((b_per_w, ZD), jnp.float32),
            pltpu.SemaphoreType.DMA,
            pltpu.SemaphoreType.DMA,
        ],
        compiler_params=pltpu.CompilerParams(use_tc_tiling_on_sc=False),
    )
    def k(idx_hbm, z_hbm, t2_hbm, out_hbm, idx_v, rows_v, z_v, gsem, zsem):
        wid = lax.axis_index("s") * mesh.num_cores + lax.axis_index("c")
        base = wid * b_per_w
        pltpu.sync_copy(idx_hbm.at[pl.ds(wid * n_chunks, n_chunks)], idx_v)
        gathers = []
        for j in range(n_chunks):
            gathers.append(pltpu.async_copy(
                t2_hbm.at[idx_v.at[j]],
                rows_v.at[pl.ds(j * IDX_CHUNK, IDX_CHUNK)],
                gsem,
            ))
        zread = pltpu.async_copy(z_hbm.at[pl.ds(base, b_per_w)], z_v, zsem)
        zread.wait()
        zwrite = pltpu.async_copy(
            z_v, out_hbm.at[pl.ds(base, b_per_w), pl.ds(EMBD, ZD)], zsem)
        for g in gathers:
            g.wait()
        pltpu.sync_copy(rows_v, out_hbm.at[pl.ds(base, b_per_w), pl.ds(0, EMBD)])
        zwrite.wait()

    return k


def _pos_body(pos_ref, w_ref, b_ref, out_ref):
    out_ref[...] = lax.dot_general(
        pos_ref[...], w_ref[...], (((1,), (1,)), ((), ())),
        preferred_element_type=jnp.float32,
    ) + b_ref[...]


@functools.cache
def _pos_linear():
    blk = 2048
    grid = BATCH // blk
    return pl.pallas_call(
        _pos_body,
        grid=(grid,),
        in_specs=[
            pl.BlockSpec((blk, 4), lambda i: (i, 0)),
            pl.BlockSpec((EMBD, 4), lambda i: (0, 0)),
            pl.BlockSpec((1, EMBD), lambda i: (0, 0)),
        ],
        out_specs=pl.BlockSpec((blk, EMBD), lambda i: (i, 0)),
        out_shape=jax.ShapeDtypeStruct((BATCH, EMBD), jnp.float32),
    )


def kernel(cla, pos, z, table, W, b):
    t2 = _transpose_pack_tc()(table.T, table.T)
    t2v = t2.reshape(2 * SPLIT, EMBD)
    w = jnp.where(cla < SPLIT, 2 * cla, 2 * (cla - SPLIT) + 1)
    w2d = w.reshape(BATCH // IDX_CHUNK, IDX_CHUNK)
    out = _sc_gather_concat()(w2d, z, t2v)
    pos_embd = _pos_linear()(pos, W, b.reshape(1, EMBD))
    return (out, pos_embd)

# --- scband reference (transcript-rebuilt; emitter-appended) ---
"""Pipeline reference for scband-generate-latent-65532611002810 (READ-ONLY COPY).

The authoritative reference and input builder live on the scoring server;
editing this copy changes nothing except your own understanding.
"""

import jax, jax.numpy as jnp
import numpy as np

EMBD_DIM = 64
POS_DIM = 64
NUM_CLASS = 1000000
BATCH = 16384
Z_DIM = 128

def setup_inputs(seed: int = 0) -> dict:
    key = jax.random.key(seed)
    k1, k2, k3, k4, k5, k6 = jax.random.split(key, 6)
    cla = jax.random.randint(k1, (BATCH,), 0, NUM_CLASS, dtype=jnp.int64 if jax.config.jax_enable_x64 else jnp.int32).astype(jnp.int32)
    pos = jax.random.normal(k2, (BATCH, 4), dtype=jnp.float32)
    z = jax.random.normal(k3, (BATCH, Z_DIM), dtype=jnp.float32)
    # learned parameters
    table = jax.random.normal(k4, (NUM_CLASS, EMBD_DIM), dtype=jnp.float32)  # nn.Embedding weight
    W = jax.random.normal(k5, (POS_DIM, 4), dtype=jnp.float32) * (1.0 / np.sqrt(4.0))  # nn.Linear weight [out,in]
    b = jax.random.normal(k6, (POS_DIM,), dtype=jnp.float32) * 0.01  # nn.Linear bias
    return {"cla": cla, "pos": pos, "z": z, "table": table, "W": W, "b": b}

def reference(cla, pos, z, table, W, b):
    # pos_embd = self.pos_embd(pos)  -> Linear: pos @ W.T + b
    pos_embd = jnp.dot(pos, W.T) + b
    # cla_embd = self.class_embd(cla) -> embedding gather
    cla_embd = jnp.take(table, cla, axis=0)
    out = jnp.concatenate([cla_embd, z], axis=1)
    return (out, pos_embd)

if __name__ == "__main__":
    import jax
    _d = setup_inputs()
    print(jax.jit(kernel)(*tuple(_d.values())))

</pallas_src>

<mosaic_0001>
#map = affine_map<(d0, d1) -> (0, 0)>
module attributes {stable_mosaic.version = 14 : i64} {
  func.func @k(%arg0: i32, %arg1: i32, %arg2: memref<128x128xi32, #tpu.memory_space<hbm>>, %arg3: memref<16384x128xf32, #tpu.memory_space<hbm>>, %arg4: memref<1024000x64xf32, #tpu.memory_space<hbm>>, %arg5: memref<16384x192xf32, #tpu.memory_space<hbm>>, %arg6: memref<4x128xi32, #tpu.memory_space<vmem>>, %arg7: memref<512x64xf32, #tpu.memory_space<vmem>>, %arg8: memref<512x128xf32, #tpu.memory_space<vmem>>, %arg9: memref<!tpu.dma_semaphore, #tpu.memory_space<semaphore_mem>>, %arg10: memref<!tpu.dma_semaphore, #tpu.memory_space<semaphore_mem>>) attributes {dimension_semantics = [#tpu.dimension_semantics<core_parallel>, #tpu.dimension_semantics<subcore_parallel>], iteration_bounds = array<i64: 2, 16>, scalar_prefetch = 0 : i64, scratch_operands = 5 : i64, tpu.core_type = #tpu.core_type<sc_vector_subcore>, window_params = [{transform_indices = #map}, {transform_indices = #map}, {transform_indices = #map}, {transform_indices = #map}]} {
    %mul3A = arith.constant 2 : i32
    %mul3A_0 = arith.muli %arg1, %mul3A : i32
    %add3A = arith.addi %mul3A_0, %arg0 : i32
    %mul3A_1 = arith.constant 512 : i32
    %mul3A_2 = arith.muli %add3A, %mul3A_1 : i32
    %mul3A_3 = arith.constant 4 : i32
    %mul3A_4 = arith.muli %add3A, %mul3A_3 : i32
    "tpu.region"() ({
      %run_scoped3A = tpu.sem_alloc : memref<!tpu.dma_semaphore, #tpu.memory_space<semaphore_mem>>
      %dma_start3A_99 = arith.constant 0 : i32
      %dma_start3A_100 = tpu.memref_slice %arg2[%mul3A_4, %dma_start3A_99] : memref<128x128xi32, #tpu.memory_space<hbm>> -> memref<4x128xi32, #tpu.memory_space<hbm>>
      %dma_start3A_101 = arith.constant 0 : i32
      %dma_start3A_102 = tpu.memref_slice %arg2[%mul3A_4, %dma_start3A_101] : memref<128x128xi32, #tpu.memory_space<hbm>> -> memref<4x128xi32, #tpu.memory_space<hbm>>
      tpu.enqueue_dma source(%dma_start3A_102 : memref<4x128xi32, #tpu.memory_space<hbm>>) target(%arg6 : memref<4x128xi32, #tpu.memory_space<vmem>>) target_semaphore(%run_scoped3A : memref<!tpu.dma_semaphore, #tpu.memory_space<semaphore_mem>>)
      %dma_wait3A_103 = arith.constant 0 : i32
      %dma_wait3A_104 = tpu.memref_slice %arg2[%mul3A_4, %dma_wait3A_103] : memref<128x128xi32, #tpu.memory_space<hbm>> -> memref<4x128xi32, #tpu.memory_space<hbm>>
      %dma_wait3A_105 = arith.constant 0 : i32
      %dma_wait3A_106 = tpu.memref_slice %arg2[%mul3A_4, %dma_wait3A_105] : memref<128x128xi32, #tpu.memory_space<hbm>> -> memref<4x128xi32, #tpu.memory_space<hbm>>
      tpu.wait_dma2 semaphore(%run_scoped3A : memref<!tpu.dma_semaphore, #tpu.memory_space<semaphore_mem>>) src(%dma_wait3A_106 : memref<4x128xi32, #tpu.memory_space<hbm>>) dst(%arg6 : memref<4x128xi32, #tpu.memory_space<vmem>>)
      tpu.yield
    }) : () -> ()
    %dma_start3A = arith.constant 0 : i32
    %dma_start3A_5 = arith.constant 0 : i32
    %dma_start3A_6 = arith.constant 0 : i32
    %dma_start3A_7 = tpu.memref_slice %arg7[%dma_start3A_5, %dma_start3A_6] : memref<512x64xf32, #tpu.memory_space<vmem>> -> memref<128x64xf32, #tpu.memory_space<vmem>>
    %dma_start3A_8 = arith.constant 0 : i32
    %dma_start3A_9 = tpu.memref_slice %arg6[%dma_start3A, %dma_start3A_8] : memref<4x128xi32, #tpu.memory_space<vmem>> -> memref<1x128xi32, #tpu.memory_space<vmem>>
    %dma_start3A_10 = tpu.memref_squeeze %dma_start3A_9 : memref<1x128xi32, #tpu.memory_space<vmem>> -> memref<128xi32, #tpu.memory_space<vmem>>
    %dma_start3A_11 = arith.constant 0 : i32
    %dma_start3A_12 = arith.constant 0 : i32
    %dma_start3A_13 = tpu.memref_slice %arg4[%dma_start3A_11, %dma_start3A_12] : memref<1024000x64xf32, #tpu.memory_space<hbm>> -> memref<1024000x64xf32, #tpu.memory_space<hbm>>
    tpu.enqueue_indirect_dma source(%dma_start3A_13 : memref<1024000x64xf32, #tpu.memory_space<hbm>>) target(%dma_start3A_7 : memref<128x64xf32, #tpu.memory_space<vmem>>) offsets(%dma_start3A_10 : memref<128xi32, #tpu.memory_space<vmem>>) semaphore(%arg9 : memref<!tpu.dma_semaphore, #tpu.memory_space<semaphore_mem>>)
    %dma_start3A_14 = arith.constant 1 : i32
    %dma_start3A_15 = arith.constant 128 : i32
    %dma_start3A_16 = arith.constant 0 : i32
    %dma_start3A_17 = tpu.memref_slice %arg7[%dma_start3A_15, %dma_start3A_16] : memref<512x64xf32, #tpu.memory_space<vmem>> -> memref<128x64xf32, #tpu.memory_space<vmem>>
    %dma_start3A_18 = arith.constant 0 : i32
    %dma_start3A_19 = tpu.memref_slice %arg6[%dma_start3A_14, %dma_start3A_18] : memref<4x128xi32, #tpu.memory_space<vmem>> -> memref<1x128xi32, #tpu.memory_space<vmem>>
    %dma_start3A_20 = tpu.memref_squeeze %dma_start3A_19 : memref<1x128xi32, #tpu.memory_space<vmem>> -> memref<128xi32, #tpu.memory_space<vmem>>
    %dma_start3A_21 = arith.constant 0 : i32
    %dma_start3A_22 = arith.constant 0 : i32
    %dma_start3A_23 = tpu.memref_slice %arg4[%dma_start3A_21, %dma_start3A_22] : memref<1024000x64xf32, #tpu.memory_space<hbm>> -> memref<1024000x64xf32, #tpu.memory_space<hbm>>
    tpu.enqueue_indirect_dma source(%dma_start3A_23 : memref<1024000x64xf32, #tpu.memory_space<hbm>>) target(%dma_start3A_17 : memref<128x64xf32, #tpu.memory_space<vmem>>) offsets(%dma_start3A_20 : memref<128xi32, #tpu.memory_space<vmem>>) semaphore(%arg9 : memref<!tpu.dma_semaphore, #tpu.memory_space<semaphore_mem>>)
    %dma_start3A_24 = arith.constant 2 : i32
    %dma_start3A_25 = arith.constant 256 : i32
    %dma_start3A_26 = arith.constant 0 : i32
    %dma_start3A_27 = tpu.memref_slice %arg7[%dma_start3A_25, %dma_start3A_26] : memref<512x64xf32, #tpu.memory_space<vmem>> -> memref<128x64xf32, #tpu.memory_space<vmem>>
    %dma_start3A_28 = arith.constant 0 : i32
    %dma_start3A_29 = tpu.memref_slice %arg6[%dma_start3A_24, %dma_start3A_28] : memref<4x128xi32, #tpu.memory_space<vmem>> -> memref<1x128xi32, #tpu.memory_space<vmem>>
    %dma_start3A_30 = tpu.memref_squeeze %dma_start3A_29 : memref<1x128xi32, #tpu.memory_space<vmem>> -> memref<128xi32, #tpu.memory_space<vmem>>
    %dma_start3A_31 = arith.constant 0 : i32
    %dma_start3A_32 = arith.constant 0 : i32
    %dma_start3A_33 = tpu.memref_slice %arg4[%dma_start3A_31, %dma_start3A_32] : memref<1024000x64xf32, #tpu.memory_space<hbm>> -> memref<1024000x64xf32, #tpu.memory_space<hbm>>
    tpu.enqueue_indirect_dma source(%dma_start3A_33 : memref<1024000x64xf32, #tpu.memory_space<hbm>>) target(%dma_start3A_27 : memref<128x64xf32, #tpu.memory_space<vmem>>) offsets(%dma_start3A_30 : memref<128xi32, #tpu.memory_space<vmem>>) semaphore(%arg9 : memref<!tpu.dma_semaphore, #tpu.memory_space<semaphore_mem>>)
    %dma_start3A_34 = arith.constant 3 : i32
    %dma_start3A_35 = arith.constant 384 : i32
    %dma_start3A_36 = arith.constant 0 : i32
    %dma_start3A_37 = tpu.memref_slice %arg7[%dma_start3A_35, %dma_start3A_36] : memref<512x64xf32, #tpu.memory_space<vmem>> -> memref<128x64xf32, #tpu.memory_space<vmem>>
    %dma_start3A_38 = arith.constant 0 : i32
    %dma_start3A_39 = tpu.memref_slice %arg6[%dma_start3A_34, %dma_start3A_38] : memref<4x128xi32, #tpu.memory_space<vmem>> -> memref<1x128xi32, #tpu.memory_space<vmem>>
    %dma_start3A_40 = tpu.memref_squeeze %dma_start3A_39 : memref<1x128xi32, #tpu.memory_space<vmem>> -> memref<128xi32, #tpu.memory_space<vmem>>
    %dma_start3A_41 = arith.constant 0 : i32
    %dma_start3A_42 = arith.constant 0 : i32
    %dma_start3A_43 = tpu.memref_slice %arg4[%dma_start3A_41, %dma_start3A_42] : memref<1024000x64xf32, #tpu.memory_space<hbm>> -> memref<1024000x64xf32, #tpu.memory_space<hbm>>
    tpu.enqueue_indirect_dma source(%dma_start3A_43 : memref<1024000x64xf32, #tpu.memory_space<hbm>>) target(%dma_start3A_37 : memref<128x64xf32, #tpu.memory_space<vmem>>) offsets(%dma_start3A_40 : memref<128xi32, #tpu.memory_space<vmem>>) semaphore(%arg9 : memref<!tpu.dma_semaphore, #tpu.memory_space<semaphore_mem>>)
    %dma_start3A_44 = arith.constant 0 : i32
    %dma_start3A_45 = tpu.memref_slice %arg3[%mul3A_2, %dma_start3A_44] : memref<16384x128xf32, #tpu.memory_space<hbm>> -> memref<512x128xf32, #tpu.memory_space<hbm>>
    %dma_start3A_46 = arith.constant 0 : i32
    %dma_start3A_47 = tpu.memref_slice %arg3[%mul3A_2, %dma_start3A_46] : memref<16384x128xf32, #tpu.memory_space<hbm>> -> memref<512x128xf32, #tpu.memory_space<hbm>>
    tpu.enqueue_dma source(%dma_start3A_47 : memref<512x128xf32, #tpu.memory_space<hbm>>) target(%arg8 : memref<512x128xf32, #tpu.memory_space<vmem>>) target_semaphore(%arg10 : memref<!tpu.dma_semaphore, #tpu.memory_space<semaphore_mem>>)
    %dma_wait3A = arith.constant 0 : i32
    %dma_wait3A_48 = tpu.memref_slice %arg3[%mul3A_2, %dma_wait3A] : memref<16384x128xf32, #tpu.memory_space<hbm>> -> memref<512x128xf32, #tpu.memory_space<hbm>>
    %dma_wait3A_49 = arith.constant 0 : i32
    %dma_wait3A_50 = tpu.memref_slice %arg3[%mul3A_2, %dma_wait3A_49] : memref<16384x128xf32, #tpu.memory_space<hbm>> -> memref<512x128xf32, #tpu.memory_space<hbm>>
    tpu.wait_dma2 semaphore(%arg10 : memref<!tpu.dma_semaphore, #tpu.memory_space<semaphore_mem>>) src(%dma_wait3A_50 : memref<512x128xf32, #tpu.memory_space<hbm>>) dst(%arg8 : memref<512x128xf32, #tpu.memory_space<vmem>>)
    %dma_start3A_51 = arith.constant 64 : i32
    %dma_start3A_52 = tpu.memref_slice %arg5[%mul3A_2, %dma_start3A_51] : memref<16384x192xf32, #tpu.memory_space<hbm>> -> memref<512x128xf32, #tpu.memory_space<hbm>>
    %dma_start3A_53 = arith.constant 64 : i32
    %dma_start3A_54 = tpu.memref_slice %arg5[%mul3A_2, %dma_start3A_53] : memref<16384x192xf32, #tpu.memory_space<hbm>> -> memref<512x128xf32, #tpu.memory_space<hbm>>
    tpu.enqueue_dma source(%arg8 : memref<512x128xf32, #tpu.memory_space<vmem>>) target(%dma_start3A_54 : memref<512x128xf32, #tpu.memory_space<hbm>>) target_semaphore(%arg10 : memref<!tpu.dma_semaphore, #tpu.memory_space<semaphore_mem>>)
    %dma_wait3A_55 = arith.constant 0 : i32
    %dma_wait3A_56 = arith.constant 0 : i32
    %dma_wait3A_57 = arith.constant 0 : i32
    %dma_wait3A_58 = tpu.memref_slice %arg7[%dma_wait3A_56, %dma_wait3A_57] : memref<512x64xf32, #tpu.memory_space<vmem>> -> memref<128x64xf32, #tpu.memory_space<vmem>>
    %dma_wait3A_59 = arith.constant 0 : i32
    %dma_wait3A_60 = tpu.memref_slice %arg6[%dma_wait3A_55, %dma_wait3A_59] : memref<4x128xi32, #tpu.memory_space<vmem>> -> memref<1x128xi32, #tpu.memory_space<vmem>>
    %dma_wait3A_61 = tpu.memref_squeeze %dma_wait3A_60 : memref<1x128xi32, #tpu.memory_space<vmem>> -> memref<128xi32, #tpu.memory_space<vmem>>
    %dma_wait3A_62 = arith.constant 0 : i32
    %dma_wait3A_63 = arith.constant 0 : i32
    %dma_wait3A_64 = tpu.memref_slice %arg4[%dma_wait3A_62, %dma_wait3A_63] : memref<1024000x64xf32, #tpu.memory_space<hbm>> -> memref<1024000x64xf32, #tpu.memory_space<hbm>>
    tpu.wait_indirect_dma semaphore(%arg9 : memref<!tpu.dma_semaphore, #tpu.memory_space<semaphore_mem>>) src(%dma_wait3A_64 : memref<1024000x64xf32, #tpu.memory_space<hbm>>) dst(%dma_wait3A_58 : memref<128x64xf32, #tpu.memory_space<vmem>>)
    %dma_wait3A_65 = arith.constant 1 : i32
    %dma_wait3A_66 = arith.constant 128 : i32
    %dma_wait3A_67 = arith.constant 0 : i32
    %dma_wait3A_68 = tpu.memref_slice %arg7[%dma_wait3A_66, %dma_wait3A_67] : memref<512x64xf32, #tpu.memory_space<vmem>> -> memref<128x64xf32, #tpu.memory_space<vmem>>
    %dma_wait3A_69 = arith.constant 0 : i32
    %dma_wait3A_70 = tpu.memref_slice %arg6[%dma_wait3A_65, %dma_wait3A_69] : memref<4x128xi32, #tpu.memory_space<vmem>> -> memref<1x128xi32, #tpu.memory_space<vmem>>
    %dma_wait3A_71 = tpu.memref_squeeze %dma_wait3A_70 : memref<1x128xi32, #tpu.memory_space<vmem>> -> memref<128xi32, #tpu.memory_space<vmem>>
    %dma_wait3A_72 = arith.constant 0 : i32
    %dma_wait3A_73 = arith.constant 0 : i32
    %dma_wait3A_74 = tpu.memref_slice %arg4[%dma_wait3A_72, %dma_wait3A_73] : memref<1024000x64xf32, #tpu.memory_space<hbm>> -> memref<1024000x64xf32, #tpu.memory_space<hbm>>
    tpu.wait_indirect_dma semaphore(%arg9 : memref<!tpu.dma_semaphore, #tpu.memory_space<semaphore_mem>>) src(%dma_wait3A_74 : memref<1024000x64xf32, #tpu.memory_space<hbm>>) dst(%dma_wait3A_68 : memref<128x64xf32, #tpu.memory_space<vmem>>)
    %dma_wait3A_75 = arith.constant 2 : i32
    %dma_wait3A_76 = arith.constant 256 : i32
    %dma_wait3A_77 = arith.constant 0 : i32
    %dma_wait3A_78 = tpu.memref_slice %arg7[%dma_wait3A_76, %dma_wait3A_77] : memref<512x64xf32, #tpu.memory_space<vmem>> -> memref<128x64xf32, #tpu.memory_space<vmem>>
    %dma_wait3A_79 = arith.constant 0 : i32
    %dma_wait3A_80 = tpu.memref_slice %arg6[%dma_wait3A_75, %dma_wait3A_79] : memref<4x128xi32, #tpu.memory_space<vmem>> -> memref<1x128xi32, #tpu.memory_space<vmem>>
    %dma_wait3A_81 = tpu.memref_squeeze %dma_wait3A_80 : memref<1x128xi32, #tpu.memory_space<vmem>> -> memref<128xi32, #tpu.memory_space<vmem>>
    %dma_wait3A_82 = arith.constant 0 : i32
    %dma_wait3A_83 = arith.constant 0 : i32
    %dma_wait3A_84 = tpu.memref_slice %arg4[%dma_wait3A_82, %dma_wait3A_83] : memref<1024000x64xf32, #tpu.memory_space<hbm>> -> memref<1024000x64xf32, #tpu.memory_space<hbm>>
    tpu.wait_indirect_dma semaphore(%arg9 : memref<!tpu.dma_semaphore, #tpu.memory_space<semaphore_mem>>) src(%dma_wait3A_84 : memref<1024000x64xf32, #tpu.memory_space<hbm>>) dst(%dma_wait3A_78 : memref<128x64xf32, #tpu.memory_space<vmem>>)
    %dma_wait3A_85 = arith.constant 3 : i32
    %dma_wait3A_86 = arith.constant 384 : i32
    %dma_wait3A_87 = arith.constant 0 : i32
    %dma_wait3A_88 = tpu.memref_slice %arg7[%dma_wait3A_86, %dma_wait3A_87] : memref<512x64xf32, #tpu.memory_space<vmem>> -> memref<128x64xf32, #tpu.memory_space<vmem>>
    %dma_wait3A_89 = arith.constant 0 : i32
    %dma_wait3A_90 = tpu.memref_slice %arg6[%dma_wait3A_85, %dma_wait3A_89] : memref<4x128xi32, #tpu.memory_space<vmem>> -> memref<1x128xi32, #tpu.memory_space<vmem>>
    %dma_wait3A_91 = tpu.memref_squeeze %dma_wait3A_90 : memref<1x128xi32, #tpu.memory_space<vmem>> -> memref<128xi32, #tpu.memory_space<vmem>>
    %dma_wait3A_92 = arith.constant 0 : i32
    %dma_wait3A_93 = arith.constant 0 : i32
    %dma_wait3A_94 = tpu.memref_slice %arg4[%dma_wait3A_92, %dma_wait3A_93] : memref<1024000x64xf32, #tpu.memory_space<hbm>> -> memref<1024000x64xf32, #tpu.memory_space<hbm>>
    tpu.wait_indirect_dma semaphore(%arg9 : memref<!tpu.dma_semaphore, #tpu.memory_space<semaphore_mem>>) src(%dma_wait3A_94 : memref<1024000x64xf32, #tpu.memory_space<hbm>>) dst(%dma_wait3A_88 : memref<128x64xf32, #tpu.memory_space<vmem>>)
    "tpu.region"() ({
      %run_scoped3A = tpu.sem_alloc : memref<!tpu.dma_semaphore, #tpu.memory_space<semaphore_mem>>
      %dma_start3A_99 = arith.constant 0 : i32
      %dma_start3A_100 = tpu.memref_slice %arg5[%mul3A_2, %dma_start3A_99] : memref<16384x192xf32, #tpu.memory_space<hbm>> -> memref<512x64xf32, #tpu.memory_space<hbm>>
      %dma_start3A_101 = arith.constant 0 : i32
      %dma_start3A_102 = tpu.memref_slice %arg5[%mul3A_2, %dma_start3A_101] : memref<16384x192xf32, #tpu.memory_space<hbm>> -> memref<512x64xf32, #tpu.memory_space<hbm>>
      tpu.enqueue_dma source(%arg7 : memref<512x64xf32, #tpu.memory_space<vmem>>) target(%dma_start3A_102 : memref<512x64xf32, #tpu.memory_space<hbm>>) target_semaphore(%run_scoped3A : memref<!tpu.dma_semaphore, #tpu.memory_space<semaphore_mem>>)
      %dma_wait3A_103 = arith.constant 0 : i32
      %dma_wait3A_104 = tpu.memref_slice %arg5[%mul3A_2, %dma_wait3A_103] : memref<16384x192xf32, #tpu.memory_space<hbm>> -> memref<512x64xf32, #tpu.memory_space<hbm>>
      %dma_wait3A_105 = arith.constant 0 : i32
      %dma_wait3A_106 = tpu.memref_slice %arg5[%mul3A_2, %dma_wait3A_105] : memref<16384x192xf32, #tpu.memory_space<hbm>> -> memref<512x64xf32, #tpu.memory_space<hbm>>
      tpu.wait_dma2 semaphore(%run_scoped3A : memref<!tpu.dma_semaphore, #tpu.memory_space<semaphore_mem>>) src(%arg7 : memref<512x64xf32, #tpu.memory_space<vmem>>) dst(%dma_wait3A_106 : memref<512x64xf32, #tpu.memory_space<hbm>>)
      tpu.yield
    }) : () -> ()
    %dma_wait3A_95 = arith.constant 64 : i32
    %dma_wait3A_96 = tpu.memref_slice %arg5[%mul3A_2, %dma_wait3A_95] : memref<16384x192xf32, #tpu.memory_space<hbm>> -> memref<512x128xf32, #tpu.memory_space<hbm>>
    %dma_wait3A_97 = arith.constant 64 : i32
    %dma_wait3A_98 = tpu.memref_slice %arg5[%mul3A_2, %dma_wait3A_97] : memref<16384x192xf32, #tpu.memory_space<hbm>> -> memref<512x128xf32, #tpu.memory_space<hbm>>
    tpu.wait_dma2 semaphore(%arg10 : memref<!tpu.dma_semaphore, #tpu.memory_space<semaphore_mem>>) src(%arg8 : memref<512x128xf32, #tpu.memory_space<vmem>>) dst(%dma_wait3A_98 : memref<512x128xf32, #tpu.memory_space<hbm>>)
    return
  }
}

module attributes {stable_mosaic.version = 14 : i64} {
  func.func @_tr_body(%arg0: i32, %arg1: memref<64x20480xf32, #tpu.memory_space<vmem>>, %arg2: memref<64x20480xf32, #tpu.memory_space<vmem>>, %arg3: memref<20480x128xf32, #tpu.memory_space<vmem>>) attributes {dimension_semantics = [#tpu.dimension_semantics<arbitrary>], iteration_bounds = array<i64: 25>, scalar_prefetch = 0 : i64, scratch_operands = 0 : i64, tpu.core_type = #tpu.core_type<tc>, window_params = [{transform_indices = @transform_0, window_bounds = array<i64: 64, 20480>}, {transform_indices = @transform_1, window_bounds = array<i64: 64, 20480>}, {transform_indices = @transform_2, window_bounds = array<i64: 20480, 128>}]} {
    %get3A = arith.constant 0 : index
    %get3A_0 = arith.constant 0 : index
    %get3A_1 = vector.load %arg1[%get3A, %get3A_0] : memref<64x20480xf32, #tpu.memory_space<vmem>>, vector<64x20480xf32>
    %get3A_2 = arith.constant 0 : index
    %get3A_3 = arith.constant 0 : index
    %get3A_4 = vector.load %arg2[%get3A_2, %get3A_3] : memref<64x20480xf32, #tpu.memory_space<vmem>>, vector<64x20480xf32>
    %concatenate3A = tpu.concatenate %get3A_1, %get3A_4 in 0 : vector<64x20480xf32>, vector<64x20480xf32> -> vector<128x20480xf32>
    %transpose3A = tpu.transpose %concatenate3A, [1, 0] : vector<128x20480xf32> -> vector<20480x128xf32>
    %swap3A = arith.constant 0 : index
    %swap3A_5 = arith.constant 0 : index
    %swap3A_6 = vector.load %arg3[%swap3A, %swap3A_5] : memref<20480x128xf32, #tpu.memory_space<vmem>>, vector<20480x128xf32>
    tpu.vector_store %arg3[%swap3A, %swap3A_5], %transpose3A {strides = array<i32>} : memref<20480x128xf32, #tpu.memory_space<vmem>>, vector<20480x128xf32>,
    return
  }
  func.func @transform_0(%arg0: i32) -> (i32, i32) {
    %c0_i32 = arith.constant 0 : i32
    %c0_i32_0 = arith.constant 0 : i32
    return %c0_i32, %arg0 : i32, i32
  }
  func.func @transform_1(%arg0: i32) -> (i32, i32) {
    %add3A = arith.constant 25 : i32
    %add3A_0 = arith.addi %add3A, %arg0 : i32
    %min3A = arith.constant 48 : i32
    %min3A_1 = arith.minsi %add3A_0, %min3A : i32
    %c0_i32 = arith.constant 0 : i32
    %c0_i32_2 = arith.constant 0 : i32
    return %c0_i32, %min3A_1 : i32, i32
  }
  func.func @transform_2(%arg0: i32) -> (i32, i32) {
    %c0_i32 = arith.constant 0 : i32
    %c0_i32_0 = arith.constant 0 : i32
    return %arg0, %c0_i32 : i32, i32
  }
}

module attributes {stable_mosaic.version = 14 : i64} {
  func.func @_pos_body(%arg0: i32, %arg1: memref<2048x4xf32, #tpu.memory_space<vmem>>, %arg2: memref<64x4xf32, #tpu.memory_space<vmem>>, %arg3: memref<1x64xf32, #tpu.memory_space<vmem>>, %arg4: memref<2048x64xf32, #tpu.memory_space<vmem>>) attributes {dimension_semantics = [#tpu.dimension_semantics<arbitrary>], iteration_bounds = array<i64: 8>, scalar_prefetch = 0 : i64, scratch_operands = 0 : i64, tpu.core_type = #tpu.core_type<tc>, window_params = [{transform_indices = @transform_0, window_bounds = array<i64: 2048, 4>}, {pipeline_mode = #tpu.pipeline_mode<synchronous>, transform_indices = @transform_1, window_bounds = array<i64: 64, 4>}, {pipeline_mode = #tpu.pipeline_mode<synchronous>, transform_indices = @transform_2, window_bounds = array<i64: 1, 64>}, {transform_indices = @transform_3, window_bounds = array<i64: 2048, 64>}]} {
    %get3A = arith.constant 0 : index
    %get3A_0 = arith.constant 0 : index
    %get3A_1 = vector.load %arg1[%get3A, %get3A_0] : memref<2048x4xf32, #tpu.memory_space<vmem>>, vector<2048x4xf32>
    %get3A_2 = arith.constant 0 : index
    %get3A_3 = arith.constant 0 : index
    %get3A_4 = vector.load %arg2[%get3A_2, %get3A_3] : memref<64x4xf32, #tpu.memory_space<vmem>>, vector<64x4xf32>
    %dot_general3A = arith.constant dense<0.000000e+00> : vector<2048x64xf32>
    %dot_general3A_5 = tpu.matmul %get3A_1, %get3A_4, %dot_general3A {dimension_numbers = #tpu.dot_dimension_numbers<[1], [1], [0], [0], [0, 0, 1, 0], [], []>, transpose_lhs_hint = false} : vector<2048x4xf32>, vector<64x4xf32>, vector<2048x64xf32> -> vector<2048x64xf32>
    %get3A_6 = arith.constant 0 : index
    %get3A_7 = arith.constant 0 : index
    %get3A_8 = vector.load %arg3[%get3A_6, %get3A_7] : memref<1x64xf32, #tpu.memory_space<vmem>>, vector<1x64xf32>
    %add3A = vector.broadcast %get3A_8 : vector<1x64xf32> to vector<2048x64xf32>
    %add3A_9 = arith.addf %dot_general3A_5, %add3A : vector<2048x64xf32>
    %swap3A = arith.constant 0 : index
    %swap3A_10 = arith.constant 0 : index
    %swap3A_11 = vector.load %arg4[%swap3A, %swap3A_10] : memref<2048x64xf32, #tpu.memory_space<vmem>>, vector<2048x64xf32>
    tpu.vector_store %arg4[%swap3A, %swap3A_10], %add3A_9 {strides = array<i32>} : memref<2048x64xf32, #tpu.memory_space<vmem>>, vector<2048x64xf32>,
    return
  }
  func.func @transform_0(%arg0: i32) -> (i32, i32) {
    %c0_i32 = arith.constant 0 : i32
    %c0_i32_0 = arith.constant 0 : i32
    return %arg0, %c0_i32 : i32, i32
  }
  func.func @transform_1(%arg0: i32) -> (i32, i32) {
    %c0_i32 = arith.constant 0 : i32
    %c0_i32_0 = arith.constant 0 : i32
    %c0_i32_1 = arith.constant 0 : i32
    return %c0_i32, %c0_i32_0 : i32, i32
  }
  func.func @transform_2(%arg0: i32) -> (i32, i32) {
    %c0_i32 = arith.constant 0 : i32
    %c0_i32_0 = arith.constant 0 : i32
    %c0_i32_1 = arith.constant 0 : i32
    return %c0_i32, %c0_i32_0 : i32, i32
  }
  func.func @transform_3(%arg0: i32) -> (i32, i32) {
    %c0_i32 = arith.constant 0 : i32
    %c0_i32_0 = arith.constant 0 : i32
    return %arg0, %c0_i32 : i32, i32
  }
}

</mosaic_0001>

<sc_bundles>
// kernel: kernel.5.cloned.1.call-start
scs
__scs_entry_jumppad:
0x0: {  	(pc) =	sbr.rel $0x88, $3  }
0x1: {  	(tag) =	ssettag $0x0;
	lr =	simm.s32 $0x1  }
0x2: {  	[smem:$0x3F9B] =	sst lr;
	_ =	strace $0xD0000000  }
0x3: {  	_ = 	snop  }
0x4: {  	_ = 	snop  }
0x5: {  	_ = 	snop  }
0x6: {  	_ = 	snop  }
0x7: {  	_ = 	snop  }
__scs_overlays_trampoline_lowered:
0x8: {  	[smem:$0x3FAA] =	sst s0  }
0x9: {  	[smem:$0x3FAB] =	sst s1  }
0xa: {  	[smem:$0x3FAC] =	sst s2  }
0xb: {  	[smem:$0x3FAD] =	sst s3  }
0xc: {  	[smem:$0x3FAE] =	sst s4  }
0xd: {  	[smem:$0x3FAF] =	sst s5  }
0xe: {  	[smem:$0x3FB0] =	sst s6  }
0xf: {  	[smem:$0x3FB1] =	sst s7  }
0x10: {  	[smem:$0x3FB2] =	sst s8  }
0x11: {  	[smem:$0x3FB3] =	sst s9;
	s0 =	simm.s32 @!p0 $0x0  }
0x12: {  	s1 =	sld [smem:$0x3F99];
	s0 =	simm.s32 @p0 $0x1  }
0x13: {  	[smem:$0x3FB4] =	sst s0;
	s0 =	simm.s32 @!p1 $0x0  }
0x14: {  	s2 =	sld [smem:$0x3F98];
	s0 =	simm.s32 @p1 $0x1  }
0x15: {  	[smem:$0x3FB5] =	sst s0;
	s0 =	simm.s32 @!p2 $0x0  }
0x16: {  	s3 =	sld [smem:$0x3FDB];
	s0 =	simm.s32 @p2 $0x1  }
0x17: {  	s4 =	simm.s32 $0x1BF5;
	[smem:$0x3FB7] =	sst s0  }
0x18: {  	s0 =	sld [smem:$0x3F9A];
	_ =	swait.ge [sflag:s4], $0x0  }
0x19: {  	s7 =	sld [smem:$0x3F9B]  }
0x1a: {  	s8 =	sadd.s32 $0xFFFFE003, lr  }
0x1b: {  	s9 =	sadd.s32 $0xFFFFFEF7, lr;
	s5 =	simm.s32 $0xFFFFFFFF;
	p2 =	slt.u32 s8, $0xFFFFF086  }
0x1c: {  	p1 =	slt.u32 s9, $0xF7A;
	s5 =	simm.s32 @!p2 $0x0  }
0x1d: {  	s5 =	simm.s32 @p1 $0x1;
	p0 =	seq.s32 s7, s2  }
0x1e: {  	s7 =	smul.u32 @!p0 $0xF7A, s2;
	p2 =	seq.s32 @!p0 s5, $0x0  }
0x1f: {  	s9 =	smul.u32 $0xF7A, s1;
	s8 =	simm.s32 @!p0 $0x1BF5;
	p2 =	por !p2, p0  }
0x20: {  	[sflag:s8] =	ssyncset.s32 @!p0 $0xFFFFF086;
	s6 =	sadd.s32 @!p0 s3, s7;
	s7 =	simm.s32 @!p0 $0x108  }
0x21: {  	s3 =	sadd.s32 s3, s9;
	s6 =	sadd.s32 @!p0 $0x88, s6;
	s7 =	simm.s32 @p2 $0x1082  }
0x22: {  	[simem:s7], [sflag:s8] =	dma.local @!p0 [hbm:s6], $0xF7A  }
0x23: {  	s9 =	sor.u32 $0xD0000000, s2;
	s6 =	simm.s32 $0x108;
	_ =	swait.ge @!p0 [sflag:s8], $0x0  }
0x24: {  	s3 =	sadd.s32 $0x88, s3;
	s6 =	simm.s32 @!p1 $0x1082;
	[sflag:s4] =	ssyncset.s32 $0xFFFFF086  }
0x25: {  	[simem:s6], [sflag:s4] =	dma.local [hbm:s3], $0xF7A  }
0x26: {  	[smem:$0x3F9B] =	sst s1;
	(tag) =	ssettag s2;
	_ =	strace s9  }
0x27: {  	s1 =	sld [smem:$0x3FAB]  }
0x28: {  	s2 =	sld [smem:$0x3FAC]  }
0x29: {  	s4 =	sld [smem:$0x3FAE]  }
0x2a: {  	p0 =	seq.s32 s5, $0x0;
	s5 =	sld [smem:$0x3FAF]  }
0x2b: {  	s6 =	sld [smem:$0x3FB0]  }
0x2c: {  	s7 =	sld [smem:$0x3FB1]  }
0x2d: {  	s3 =	simm.s32 $0x108;
	s8 =	sld [smem:$0x3FB2]  }
0x2e: {  	s3 =	simm.s32 @!p0 $0x1082;
	s9 =	sld [smem:$0x3FB3]  }
0x2f: {  	lr =	sadd.s32 s0, s3;
	s0 =	sld [smem:$0x3FAA]  }
0x30: {  	s3 =	sld [smem:$0x3FAD]  }
0x31: {  	[smem:$0x3FB6] =	sst s10  }
0x32: {  	s10 =	sld [smem:$0x3FB4];
	_ =	sdelay $0x3  }
0x33: {  	p0 =	seq.s32 s10, $0x1;
	s10 =	sld [smem:$0x3FB6];
	_ =	sdelay $0x3  }
0x34: {  	[smem:$0x3FB6] =	sst s10  }
0x35: {  	s10 =	sld [smem:$0x3FB5];
	_ =	sdelay $0x3  }
0x36: {  	p1 =	seq.s32 s10, $0x1;
	s10 =	sld [smem:$0x3FB6];
	_ =	sdelay $0x3  }
0x37: {  	[smem:$0x3FB6] =	sst s10  }
0x38: {  	s10 =	sld [smem:$0x3FB7]  }
0x39: {  	_ = 	snop;
	(pc) =	sbr.ind lr, $3  }
0x3a: {  	_ = 	snop  }
0x3b: {  	_ = 	snop  }
0x3c: {  	p2 =	seq.s32 s10, $0x1;
	s10 =	sld [smem:$0x3FB6]  }
0x3d: {  	_ =	shalt  }
0x3e: {  	_ =	shalt  }
0x3f: {  	_ =	shalt  }
0x40: {  	_ =	shalt  }
0x41: {  	_ =	shalt  }
0x42: {  	_ =	shalt  }
0x43: {  	_ =	shalt  }
0x44: {  	_ =	shalt  }
0x45: {  	_ =	shalt  }
0x46: {  	_ =	shalt  }
0x47: {  	_ =	shalt  }
0x48: {  	_ =	shalt  }
0x49: {  	_ =	shalt  }
0x4a: {  	_ =	shalt  }
0x4b: {  	_ =	shalt  }
0x4c: {  	_ =	shalt  }
0x4d: {  	_ =	shalt  }
0x4e: {  	_ =	shalt  }
0x4f: {  	_ =	shalt  }
0x50: {  	_ =	shalt  }
0x51: {  	_ =	shalt  }
0x52: {  	_ =	shalt  }
0x53: {  	_ =	shalt  }
0x54: {  	_ =	shalt  }
0x55: {  	_ =	shalt  }
0x56: {  	_ =	shalt  }
0x57: {  	_ =	shalt  }
0x58: {  	_ =	shalt  }
0x59: {  	_ =	shalt  }
0x5a: {  	_ =	shalt  }
0x5b: {  	_ =	shalt  }
0x5c: {  	_ =	shalt  }
0x5d: {  	_ =	shalt  }
0x5e: {  	_ =	shalt  }
0x5f: {  	_ =	shalt  }
0x60: {  	_ =	shalt  }
0x61: {  	_ =	shalt  }
0x62: {  	_ =	shalt  }
0x63: {  	_ =	shalt  }
0x64: {  	_ =	shalt  }
0x65: {  	_ =	shalt  }
0x66: {  	_ =	shalt  }
0x67: {  	_ =	shalt  }
0x68: {  	_ =	shalt  }
0x69: {  	_ =	shalt  }
0x6a: {  	_ =	shalt  }
0x6b: {  	_ =	shalt  }
0x6c: {  	_ =	shalt  }
0x6d: {  	_ =	shalt  }
0x6e: {  	_ =	shalt  }
0x6f: {  	_ =	shalt  }
0x70: {  	_ =	shalt  }
0x71: {  	_ =	shalt  }
0x72: {  	_ =	shalt  }
0x73: {  	_ =	shalt  }
0x74: {  	_ =	shalt  }
0x75: {  	_ =	shalt  }
0x76: {  	_ =	shalt  }
0x77: {  	_ =	shalt  }
0x78: {  	_ =	shalt  }
0x79: {  	_ =	shalt  }
0x7a: {  	_ =	shalt  }
0x7b: {  	_ =	shalt  }
0x7c: {  	_ =	shalt  }
0x7d: {  	_ =	shalt  }
0x7e: {  	_ =	shalt  }
0x7f: {  	_ =	shalt  }
0x80: {  	_ =	shalt  }
0x81: {  	_ =	shalt  }
0x82: {  	_ =	shalt  }
0x83: {  	_ =	shalt  }
0x84: {  	_ =	shalt  }
0x85: {  	_ =	shalt  }
0x86: {  	_ =	shalt  }
0x87: {  	_ =	shalt  }
.Lfunc_end0:
.L_simem_size_0:
called_computation_lowered:
.L_overlay_start_0:
0x88: {  	s2 =	sld [smem:$0x3FD9]  }
0x89: {  	s3 =	sld [smem:$0x3FFE];
	_ =	sdelay $0x1  }
0x8a: {  	s1 =	srdreg.scid  }
0x8b: {  	s0 =	sand.u32 $0x1, s1  }
0x8c: {  	s14 =	sshll.u32 s0, $0xA;
	s2 =	sadd.s32 s3, s2  }
0x8d: {  	s2 =	sadd.s32 s2, s14  }
0x8e: {  	[smem:$0x3FC2] =	sst s2  }
0x8f: {  	_ = 	snop  }
0x90: {  	s2 =	sld [smem:$0x3FD0];
	_ =	sdelay $0x2  }
0x91: {  	s4 =	simm.s32 $0xA;
	s5 =	simm.s32 $0x10;
	s15 =	sld [smem:$0x3FC7]  }
0x92: {  	[smem:s5], [sflag:s4] =	dma.local [hbm:s2], $0x1  }
0x93: {  	_ =	swait.eq [sflag:s4], $0x1  }
0x94: {  	[sflag:s4] =	ssyncset.done $0x0  }
0x95: {  	[sflag:s4] =	ssyncadd.s32 $0xFFFFFFFF  }
0x96: {  	s16 =	sld [smem:$0x10];
	(tm) =	ssettm $0x1  }
0x97: {  	s17 =	sld [smem:$0x3FFB];
	_ =	sdelay $0x3  }
0x98: {  	_ =	strace s17  }
0x99: {  	s4 =	sld [smem:$0x3FFC];
	_ =	sdelay $0x3  }
0x9a: {  	_ =	strace s4  }
0x9b: {  	s4 =	sld [smem:$0x3FFD];
	_ =	sdelay $0x3  }
0x9c: {  	_ =	strace s4  }
0x9d: {  	_ =	strace $0x8FFFFFFF  }
0x9e: {  	s18 =	sld [smem:$0x3FDB];
	_ =	sdelay $0x1  }
0x9f: {  	s19 =	simm.s32 $_scs_section_size  }
0xa0: {  	s6 =	simm.s32 $_size__tile_overlayer_lowered;
	s7 =	simm.s32 $_tile_overlayer_lowered  }
0xa1: {  	s22 =	simm.s32 $0x1BFF;
	s21 =	sshll.u32 s7, $0x1;
	s4 =	sadd.s32 s19, s18  }
0xa2: {  	s8 =	simm.s32 $0x0;
	s20 =	sshll.u32 s6, $0x1;
	s6 =	sadd.s32 s21, s4  }
0xa3: {  	[timem:s8], [sflag:s22] =	dma.local [hbm:s6], s20  }
0xa4: {  	_ =	swait.ge [sflag:s22], s20  }
0xa5: {  	s5 =	ssub.s32 $0x0, s20;
	[sflag:s22] =	ssyncset.done $0x0  }
0xa6: {  	[sflag:s22] =	ssyncadd.s32 s5;
	_ =	sdelay $0x1  }
0xa7: {  	s23 =	simm.s32 $0x1B8B  }
0xa8: {  	_ =	swait.ge [sflag:s23], $0x1  }
0xa9: {  	[sflag:s23] =	ssyncset.done $0x0  }
0xaa: {  	s25 =	simm.s32 $0x1B8E;
	s24 =	sld [smem:$0x3FFE];
	[sflag:s23] =	ssyncadd.s32 $0xFFFFFFFF  }
0xab: {  	s26 =	simm.s32 $execute0_lowered;
	[smem:$0x3FD2] =	sst s25  }
0xac: {  	s6 =	sshll.u32 s26, $0x1;
	_ =	strace $0x80000046;
	[dreg:$0x1] =	wrdreg $0xFFFFFFFF  }
0xad: {  	s28 =	simm.s32 $_size_execute0_lowered;
	s4 =	sadd.s32 s4, s6;
	[dreg:$0x0] =	wrdreg $0x0  }
0xae: {  	s6 =	sshll.u32 s28, $0x1;
	[dreg:$0x2] =	wrdreg s4  }
0xaf: {  	[dreg:$0x3] =	wrdreg s6  }
0xb0: {  	[dreg:$0x4] =	wrdreg $0xC0  }
0xb1: {  	_ =	task [dreg:s8], $0x5FFFF  }
0xb2: {  	[dreg:$0x1] =	wrdreg $0xFFFFFFFF  }
0xb3: {  	[dreg:$0x0] =	wrdreg $0x60  }
0xb4: {  	[dreg:$0x2] =	wrdreg s24  }
0xb5: {  	[dreg:$0x3] =	wrdreg s15  }
0xb6: {  	[dreg:$0x4] =	wrdreg s16  }
0xb7: {  	[dreg:$0x5] =	wrdreg $0x9  }
0xb8: {  	_ =	task.clear_ibuf [dreg:s8], $0x6FFFF;
	_ =	strace $0x90000046  }
0xb9: {  	s29 =	simm.s32 $0x9;
	_ =	strace $0x80000048  }
0xba: {  	_ =	swait.ge [sflag:s29], $0x1  }
0xbb: {  	[sflag:s29] =	ssyncadd.s32 $0xFFFFFFFF  }
0xbc: {  	_ =	strace $0x90000048  }
0xbd: {  	_ =	sfence  }
0xbe: {  	s30 =	sld [smem:$0x0];
	_ =	sdelay $0x2  }
0xbf: {  	s31 =	sshll.u32 s1, $0xD;
	s1 =	sshrl.u32 s1, $0x2  }
0xc0: {  	s3 =	sand.u32 $0x4000, s31;
	s1 =	sadd.s32 s1, s30  }
0xc1: {  	s0 =	sor.u32 s3, s0;
	s1 =	sshll.u32 s1, $0x11  }
0xc2: {  	s0 =	sor.u32 s1, s0  }
0xc3: {  	s0 =	sadd.s32 $0x8F2B, s0  }
0xc4: {  	[sflag:s0] =	ssyncadd.remote.s32 $0x1  }
0xc5: {  	_ =	sfence.sel $0xFFFF  }
0xc6: {  	[dreg:$0x0] =	wrdreg $0xFFFFFFFF;
	(pc) =	sbr.abs _section_cstart, $3  }
0xc7: {  	[dreg:$0x1] =	wrdreg $0xFFFFFFFF  }
0xc8: {  	_ =	task.clear_ibuf [dreg:s8], $0x2FFFF;
	_ =	strace $0x9FFFFFFF  }
0xc9: {  	(tm) =	ssettm $0x7FFFFFFF  }
tec
execute0_lowered:
.L_overlay_start_1:
0x0: {  	(tag) =	ssettag $0x1  }
0x1: {  	s1 =	srdreg.scid;
	s0 =	stileid.u32  }
0x2: {  	s5 =	rddreg [dreg:$0x0];
	s20 =	sand.u32 $0x1, s1;
	s31 =	sshll.u32 s0, $0x1  }
0x3: {  	s11 =	rddreg [dreg:$0x1];
	s14 =	sor.u32 s20, s31  }
0x4: {  	s16 =	rddreg [dreg:$0x2];
	s2 =	simm.s32 $0x0;
	s3 =	sshll.u32 s14, $0x6  }
0x5: {  	s4 =	simm.s32 $0x3;
	[smem:$0x7FF] =	sst s2;
	s3 =	sadd.s32 s3, s5  }
0x6: {  	s1 =	rddreg [dreg:$0x3];
	_ =	strace $0x80000047;
	s3 =	sadd.s32 $0x7D0C00, s3  }
0x7: {  	[tilespmem:s2], [sflag:$0x3] =	stream.linear.gather [hbm4b:s3+s2], $0x200, $0x38;
	[tilespmem:$0x18200] =	vst v63  }
0x8: {  	_ =	swait.ge [sflag:s4], $0x200  }
0x9: {  	s6 =	simm.s32 $0x80;
	[sflag:s4] =	ssyncset.done $0x0  }
0xa: {  	s7 =	simm.s32 $0x200;
	s5 =	sadd.s32 $0xC00, s5;
	[sflag:s4] =	ssyncadd.s32 $0xFFFFFE00  }
0xb: {  	[tilespmem:s7], [sflag:$0x1] =	stream.indirect.gather [hbm4b:s5+s6], $0x40, s2, s6, $0xb8;
	[tilespmem:$0x18200] =	vst v63  }
0xc: {  	s8 =	simm.s32 $0x2200  }
0xd: {  	[tilespmem:s8], [sflag:$0x1] =	stream.indirect.gather [hbm4b:s5+s6], $0x40, s6, s6, $0xb8;
	[tilespmem:$0x18200] =	vst v63  }
0xe: {  	s9 =	simm.s32 $0x100;
	s10 =	simm.s32 $0x4200;
	s12 =	sshll.u32 s14, $0xD  }
0xf: {  	[tilespmem:s10], [sflag:$0x1] =	stream.indirect.gather [hbm4b:s5+s6], $0x40, s9, s6, $0xb8;
	[tilespmem:$0x18200] =	vst v63  }
0x10: {  	s13 =	simm.s32 $0x6200;
	s11 =	sadd.s32 s11, s12;
	s12 =	simm.s32 $0x180  }
0x11: {  	[tilespmem:s13], [sflag:$0x1] =	stream.indirect.gather [hbm4b:s5+s6], $0x40, s12, s6, $0xb8;
	[tilespmem:$0x18200] =	vst v63  }
0x12: {  	s15 =	simm.s32 $0x8200;
	s17 =	smul.u32 $0x3000, s14;
	s14 =	simm.s32 $0x2  }
0x13: {  	[tilespmem:s15], [sflag:$0x2] =	stream.linear.gather [hbm4b:s11+s2], $0x10000, $0x38;
	[tilespmem:$0x18200] =	vst v63  }
0x14: {  	_ =	swait.ge [sflag:s14], $0x10000  }
0x15: {  	s18 =	simm.s32 $0xC0;
	s16 =	sadd.s32 s16, s17;
	[sflag:s14] =	ssyncset.done $0x0  }
0x16: {  	s19 =	simm.s32 $0x1;
	s17 =	sadd.s32 $0x8, s16;
	[sflag:s14] =	ssyncadd.s32 $0xFFFF0000  }
0x17: {  	[hbm4b:s17+s6] =	stream.strided.scatter [tilespmem:s15], [sflag:$0x2], $0x10000, s18, s6, $0x38;
	[tilespmem:$0x18200] =	vst v63  }
0x18: {  	_ =	swait.ge [sflag:s19], $0x2000  }
0x19: {  	[sflag:s19] =	ssyncset.done $0x0  }
0x1a: {  	[sflag:s19] =	ssyncadd.s32 $0xFFFFE000  }
0x1b: {  	_ =	swait.ge [sflag:s19], $0x2000  }
0x1c: {  	[sflag:s19] =	ssyncset.done $0x0  }
0x1d: {  	[sflag:s19] =	ssyncadd.s32 $0xFFFFE000  }
0x1e: {  	_ =	swait.ge [sflag:s19], $0x2000  }
0x1f: {  	s21 =	ssub.s32 $0x2, s20;
	[sflag:s19] =	ssyncset.done $0x0  }
0x20: {  	s22 =	sshrl.u32 s21, $0x1;
	[sflag:s19] =	ssyncadd.s32 $0xFFFFE000  }
0x21: {  	s21 =	ssub.s32 s21, s22;
	_ =	swait.ge [sflag:s19], $0x2000  }
0x22: {  	s21 =	smax.u32 s21, $0x1;
	[sflag:s19] =	ssyncset.done $0x0  }
0x23: {  	s20 =	simm.s32 $0x40;
	p0 =	sne.s32 s21, $0x1;
	[sflag:s19] =	ssyncadd.s32 $0xFFFFE000  }
0x24: {  	[hbm4b:s16+s20] =	stream.strided.scatter [tilespmem:s7], [sflag:$0x3], $0x8000, s18, s20, $0x38;
	[tilespmem:$0x18200] =	vst v63  }
.Ltmp0:
0x25: {  	_ =	swait.ge [sflag:s4], $0x8000;
	(pc) =	sbr.rel @!p0 .LBB2_2-.Ltmp0, $4  }
0x26: {  	[sflag:s4] =	ssyncset.done $0x0  }
0x27: {  	[sflag:s4] =	ssyncadd.s32 $0xFFFF8000  }
0x28: {  	_ =	swait.ge [sflag:s14], $0x10000  }
0x29: {  	s21 =	sadd.s32 $0xFFFFFFFF, s21;
	[sflag:s14] =	ssyncset.done $0x0  }
.LBB2_1:
0x2a: {  	p0 =	sne.s32 s21, $0x1;
	s21 =	sadd.s32 $0xFFFFFFFF, s21;
	[sflag:s14] =	ssyncadd.s32 $0xFFFF0000  }
0x2b: {  	[tilespmem:s2], [sflag:$0x3] =	stream.linear.gather [hbm4b:s3+s2], $0x200, $0x38;
	[tilespmem:$0x18200] =	vst v63  }
0x2c: {  	_ =	swait.ge [sflag:s4], $0x200  }
0x2d: {  	[sflag:s4] =	ssyncset.done $0x0  }
0x2e: {  	[sflag:s4] =	ssyncadd.s32 $0xFFFFFE00  }
0x2f: {  	[tilespmem:s7], [sflag:$0x1] =	stream.indirect.gather [hbm4b:s5+s6], $0x40, s2, s6, $0xb8;
	[tilespmem:$0x18200] =	vst v63  }
0x30: {  	_ = 	snop  }
0x31: {  	[tilespmem:s8], [sflag:$0x1] =	stream.indirect.gather [hbm4b:s5+s6], $0x40, s6, s6, $0xb8;
	[tilespmem:$0x18200] =	vst v63  }
0x32: {  	_ = 	snop  }
0x33: {  	[tilespmem:s10], [sflag:$0x1] =	stream.indirect.gather [hbm4b:s5+s6], $0x40, s9, s6, $0xb8;
	[tilespmem:$0x18200] =	vst v63  }
0x34: {  	_ = 	snop  }
0x35: {  	[tilespmem:s13], [sflag:$0x1] =	stream.indirect.gather [hbm4b:s5+s6], $0x40, s12, s6, $0xb8;
	[tilespmem:$0x18200] =	vst v63  }
0x36: {  	_ = 	snop  }
0x37: {  	[tilespmem:s15], [sflag:$0x2] =	stream.linear.gather [hbm4b:s11+s2], $0x10000, $0x38;
	[tilespmem:$0x18200] =	vst v63  }
0x38: {  	_ =	swait.ge [sflag:s14], $0x10000  }
0x39: {  	[sflag:s14] =	ssyncset.done $0x0  }
0x3a: {  	[sflag:s14] =	ssyncadd.s32 $0xFFFF0000  }
0x3b: {  	[hbm4b:s17+s6] =	stream.strided.scatter [tilespmem:s15], [sflag:$0x2], $0x10000, s18, s6, $0x38;
	[tilespmem:$0x18200] =	vst v63  }
0x3c: {  	_ =	swait.ge [sflag:s19], $0x2000  }
0x3d: {  	[sflag:s19] =	ssyncset.done $0x0  }
0x3e: {  	[sflag:s19] =	ssyncadd.s32 $0xFFFFE000  }
0x3f: {  	_ =	swait.ge [sflag:s19], $0x2000  }
0x40: {  	[sflag:s19] =	ssyncset.done $0x0  }
0x41: {  	[sflag:s19] =	ssyncadd.s32 $0xFFFFE000  }
0x42: {  	_ =	swait.ge [sflag:s19], $0x2000  }
0x43: {  	[sflag:s19] =	ssyncset.done $0x0  }
0x44: {  	[sflag:s19] =	ssyncadd.s32 $0xFFFFE000  }
0x45: {  	_ =	swait.ge [sflag:s19], $0x2000  }
0x46: {  	[sflag:s19] =	ssyncset.done $0x0  }
0x47: {  	[sflag:s19] =	ssyncadd.s32 $0xFFFFE000  }
0x48: {  	[hbm4b:s16+s20] =	stream.strided.scatter [tilespmem:s7], [sflag:$0x3], $0x8000, s18, s20, $0x38;
	[tilespmem:$0x18200] =	vst v63  }
.Ltmp1:
0x49: {  	_ =	swait.ge [sflag:s4], $0x8000;
	(pc) =	sbr.rel @p0 .LBB2_1-.Ltmp1, $4  }
0x4a: {  	[sflag:s4] =	ssyncset.done $0x0  }
0x4b: {  	[sflag:s4] =	ssyncadd.s32 $0xFFFF8000  }
0x4c: {  	_ =	swait.ge [sflag:s14], $0x10000  }
0x4d: {  	[sflag:s14] =	ssyncset.done $0x0  }
.LBB2_2:
0x4e: {  	[sflag:s14] =	ssyncadd.s32 $0xFFFF0000  }
0x4f: {  	_ =	sfence.sel $0x180000  }
0x50: {  	[bflag:$0x0] =	sbarrier.arrive $0xFFFF  }
0x51: {  	p0 =	sne.s32 s0, $0x0;
	_ =	strace $0x90000047  }
0x52: {  	s0 =	sadd.s32 @!p0 $0x100000, s1;
	[bflag:$0x2] =	sbarrier.arrive $0xFFFF  }
0x53: {  	[sflag:s0] =	ssyncadd.tile.s32 @!p0 $0x1;
	_ =	shalt  }
.Lfunc_end2:
_tile_overlayer_lowered:
.L_overlay_start_2:
0x54: {  	(tag) =	ssettag $0x2  }
0x55: {  	s0 =	rddreg [dreg:$0x0];
	s2 =	stileid.u32  }
0x56: {  	s1 =	rddreg [dreg:$0x1];
	p0 =	sne.s32 s2, $0x0  }
0x57: {  	s3 =	rddreg [dreg:$0x2];
	[bflag:$0x3] =	sbarrier.arrive $0xFFFF;
	s2 =	simm.s32 @!p0 $0x1C03  }
0x58: {  	[timem:s3], [sflag:s2] =	dma.local @!p0 [hbm:s0], s1  }
0x59: {  	s0 =	simm.s32 @!p0 $0x3  }
0x5a: {  	_ =	swait.ge @!p0 [sflag:s0], s1  }
0x5b: {  	s1 =	ssub.s32 @!p0 $0x0, s1;
	[sflag:s0] =	ssyncset.done @!p0 $0x0  }
0x5c: {  	[sflag:s0] =	ssyncadd.s32 @!p0 s1  }
0x5d: {  	[bflag:$0x3] =	sbarrier.arrive $0xFFFF  }
0x5e: {  	_ =	shalt  }

</sc_bundles>
